<compile_context>
chip_gen: v7x
topology: tpu7x:2x2x1
jax: 0.10.2.dev20260603
libtpu: 0.0.44.dev20260713+nightly
codegen_flags: <defaults>
</compile_context>

<pallas_src>
import jax
import jax.numpy as jnp
from jax import lax
from jax.experimental import pallas as pl
from jax.experimental.pallas import tpu as pltpu
from jax.experimental.pallas import tpu_sc as plsc

B = 16
N = 16384
K = 2048
L = 16
HALF = N // 2
HCHUNKS = HALF // L


def _fps_body(points_hbm, out_hbm,
              x_v, y_v, z_v, d_v, ox_v, oy_v, oz_v, comm_v, pr_v, sh_s):
    c = lax.axis_index("c")
    s = lax.axis_index("s")
    b = c * 8 + s // 2
    half = s % 2
    partner = s ^ 1
    hbase = half * HALF

    pltpu.sync_copy(points_hbm.at[pl.ds((b * 3 + 0) * N, N)], x_v)
    pltpu.sync_copy(points_hbm.at[pl.ds((b * 3 + 1) * N, N)], y_v)
    pltpu.sync_copy(points_hbm.at[pl.ds((b * 3 + 2) * N, N)], z_v)

    lanes = lax.iota(jnp.int32, L)
    lane0 = lanes == 0
    big = jnp.full((L,), 1e10, jnp.float32)

    @plsc.parallel_loop(0, HCHUNKS, unroll=8)
    def _init(i):
        d_v[pl.ds(i * L, L)] = big

    zero_idx = jnp.full((L,), jnp.min(lanes), jnp.int32)
    lx = plsc.load_gather(x_v, [zero_idx])
    ly = plsc.load_gather(y_v, [zero_idx])
    lz = plsc.load_gather(z_v, [zero_idx])
    plsc.store_scatter(ox_v, [zero_idx], lx, mask=lane0)
    plsc.store_scatter(oy_v, [zero_idx], ly, mask=lane0)
    plsc.store_scatter(oz_v, [zero_idx], lz, mask=lane0)

    eq0 = lanes == 0
    eq1 = lanes == 1
    eq2 = lanes == 2
    eq3 = lanes == 3
    one_idx = jnp.full((L,), 1, jnp.int32)
    two_idx = jnp.full((L,), 2, jnp.int32)
    three_idx = jnp.full((L,), 3, jnp.int32)
    four_idx = jnp.full((L,), 4, jnp.int32)

    def outer(k, carry):
        lx, ly, lz = carry

        def inner(i, mcarry):
            run_max, run_idx = mcarry
            base = i * L
            xv = x_v[pl.ds(hbase + base, L)]
            yv = y_v[pl.ds(hbase + base, L)]
            zv = z_v[pl.ds(hbase + base, L)]
            dv = d_v[pl.ds(base, L)]
            dx = xv - lx
            dy = yv - ly
            dz = zv - lz
            dist = (dx * dx + dz * dz) + dy * dy
            nd = jnp.minimum(dv, dist)
            d_v[pl.ds(base, L)] = nd
            upd = nd > run_max
            run_max = jnp.where(upd, nd, run_max)
            run_idx = jnp.where(upd, hbase + base + lanes, run_idx)
            return run_max, run_idx

        run_max0 = jnp.full((L,), -jnp.inf, jnp.float32)
        run_idx0 = jnp.zeros((L,), jnp.int32)
        run_max, run_idx = plsc.parallel_loop(
            0, HCHUNKS, carry=(run_max0, run_idx0), unroll=8
        )(inner)
        m = jnp.max(run_max)
        sel = jnp.min(jnp.where(run_max == m, run_idx, N))
        mv = jnp.full((L,), m, jnp.float32)
        selv = jnp.full((L,), sel, jnp.int32)
        gx = plsc.load_gather(x_v, [selv])
        gy = plsc.load_gather(y_v, [selv])
        gz = plsc.load_gather(z_v, [selv])
        row = jnp.where(
            eq0, plsc.bitcast(mv, jnp.int32),
            jnp.where(
                eq1, selv,
                jnp.where(
                    eq2, plsc.bitcast(gx, jnp.int32),
                    jnp.where(eq3, plsc.bitcast(gy, jnp.int32),
                              plsc.bitcast(gz, jnp.int32)))))
        comm_v[...] = row
        parity = jnp.bitwise_and(k, 1)
        pltpu.sync_copy(comm_v, sh_s.at[pl.ds((parity * 16 + s) * L, L)])
        plsc.subcore_barrier()
        pltpu.sync_copy(sh_s.at[pl.ds((parity * 16 + partner) * L, L)], pr_v)
        pmv = plsc.bitcast(plsc.load_gather(pr_v, [zero_idx]), jnp.float32)
        pselv = plsc.load_gather(pr_v, [one_idx])
        pgx = plsc.bitcast(plsc.load_gather(pr_v, [two_idx]), jnp.float32)
        pgy = plsc.bitcast(plsc.load_gather(pr_v, [three_idx]), jnp.float32)
        pgz = plsc.bitcast(plsc.load_gather(pr_v, [four_idx]), jnp.float32)
        use_mine = jnp.logical_or(
            mv > pmv, jnp.logical_and(mv == pmv, selv < pselv)
        )
        lx = jnp.where(use_mine, gx, pgx)
        ly = jnp.where(use_mine, gy, pgy)
        lz = jnp.where(use_mine, gz, pgz)
        kv = jnp.full((L,), k, jnp.int32)
        plsc.store_scatter(ox_v, [kv], lx, mask=lane0)
        plsc.store_scatter(oy_v, [kv], ly, mask=lane0)
        plsc.store_scatter(oz_v, [kv], lz, mask=lane0)
        return lx, ly, lz

    lax.fori_loop(1, K, outer, (lx, ly, lz))

    @pl.when(half == 0)
    def _():
        pltpu.sync_copy(ox_v, out_hbm.at[pl.ds((b * 3 + 0) * K, K)])
        pltpu.sync_copy(oy_v, out_hbm.at[pl.ds((b * 3 + 1) * K, K)])
        pltpu.sync_copy(oz_v, out_hbm.at[pl.ds((b * 3 + 2) * K, K)])


def kernel(points):
    mesh = plsc.VectorSubcoreMesh(core_axis_name="c", subcore_axis_name="s")
    fn = pl.kernel(
        _fps_body,
        mesh=mesh,
        out_type=jax.ShapeDtypeStruct((B * 3 * K,), jnp.float32),
        compiler_params=pltpu.CompilerParams(needs_layout_passes=False),
        scratch_types=[
            pltpu.VMEM((N,), jnp.float32),
            pltpu.VMEM((N,), jnp.float32),
            pltpu.VMEM((N,), jnp.float32),
            pltpu.VMEM((HALF,), jnp.float32),
            pltpu.VMEM((K,), jnp.float32),
            pltpu.VMEM((K,), jnp.float32),
            pltpu.VMEM((K,), jnp.float32),
            pltpu.VMEM((L,), jnp.int32),
            pltpu.VMEM((L,), jnp.int32),
            pltpu.VMEM_SHARED((2 * 16 * L,), jnp.int32),
        ],
    )
    return fn(points.reshape(B * 3 * N)).reshape(B, 3, K)

# --- scband reference (transcript-rebuilt; emitter-appended) ---
"""Pipeline reference for scband-sample-14482629722270 (READ-ONLY COPY).

The authoritative reference and input builder live on the scoring server;
editing this copy changes nothing except your own understanding.
"""

import jax, jax.numpy as jnp
import numpy as np

NUM_POINTS = 2048


def setup_inputs(seed: int = 0) -> dict:
    key = jax.random.key(seed)
    points = jax.random.normal(key, (16, 3, 16384), dtype=jnp.float32)
    return {"points": points}


def furthest_point_sampling(pts, K):
    # pts: [B, N, 3] -> indices [B, K] (int32)
    B, N, _ = pts.shape
    indices = jnp.zeros((B, K), dtype=jnp.int32)  # first sampled index = 0
    dists = jnp.full((B, N), 1e10, dtype=jnp.float32)

    def body(i, carry):
        indices, dists = carry
        last = jax.lax.dynamic_slice_in_dim(indices, i - 1, 1, axis=1)  # [B, 1]
        last_pt = jnp.take_along_axis(pts, last[:, :, None], axis=1)  # [B, 1, 3]
        d = jnp.sum((pts - last_pt) ** 2, axis=-1)  # [B, N]
        dists = jnp.minimum(dists, d)
        nxt = jnp.argmax(dists, axis=-1).astype(jnp.int32)  # [B]
        indices = jax.lax.dynamic_update_slice_in_dim(indices, nxt[:, None], i, axis=1)
        return (indices, dists)

    indices, dists = jax.lax.fori_loop(1, K, body, (indices, dists))
    return indices


def reference(points):
    # points: [B, 3, N]
    pts = jnp.transpose(points, (0, 2, 1))  # [B, N, 3] (== points.permute(0,2,1))
    idx = furthest_point_sampling(pts, NUM_POINTS)  # [B, K]
    # fps_gather_by_index(points [B,3,N], idx [B,K]) -> [B, 3, K]
    gathered = jnp.take_along_axis(pts, idx[:, :, None], axis=1)  # [B, K, 3]
    return jnp.transpose(gathered, (0, 2, 1))  # [B, 3, K]

if __name__ == "__main__":
    import jax
    _d = setup_inputs()
    print(jax.jit(kernel)(*tuple(_d.values())))

</pallas_src>

<mosaic_0001>
#map = affine_map<(d0, d1) -> (0)>
module attributes {stable_mosaic.version = 14 : i64} {
  func.func @_fps_body(%arg0: i32, %arg1: i32, %arg2: memref<786432xf32, #tpu.memory_space<hbm>>, %arg3: memref<98304xf32, #tpu.memory_space<hbm>>, %arg4: memref<16384xf32, #tpu.memory_space<vmem>>, %arg5: memref<16384xf32, #tpu.memory_space<vmem>>, %arg6: memref<16384xf32, #tpu.memory_space<vmem>>, %arg7: memref<8192xf32, #tpu.memory_space<vmem>>, %arg8: memref<2048xf32, #tpu.memory_space<vmem>>, %arg9: memref<2048xf32, #tpu.memory_space<vmem>>, %arg10: memref<2048xf32, #tpu.memory_space<vmem>>, %arg11: memref<16xi32, #tpu.memory_space<vmem>>, %arg12: memref<16xi32, #tpu.memory_space<vmem>>, %arg13: memref<512xi32, #tpu.memory_space<vmem_shared>>) attributes {dimension_semantics = [#tpu.dimension_semantics<core_parallel>, #tpu.dimension_semantics<subcore_parallel>], iteration_bounds = array<i64: 2, 16>, scalar_prefetch = 0 : i64, scratch_operands = 10 : i64, tpu.core_type = #tpu.core_type<sc_vector_subcore>, window_params = [{transform_indices = #map}, {transform_indices = #map}]} {
    %mul3A = arith.constant 8 : i32
    %mul3A_0 = arith.muli %arg0, %mul3A : i32
    %jit3A = arith.constant 2 : i32
    %div3A = arith.divsi %arg1, %jit3A : i32
    %sign3A = arith.constant 0 : i32
    %sign3A_1 = arith.cmpi sgt, %arg1, %sign3A : i32
    %sign3A_2 = arith.extui %sign3A_1 : i1 to i32
    %sign3A_3 = arith.constant 0 : i32
    %sign3A_4 = arith.cmpi slt, %arg1, %sign3A_3 : i32
    %sign3A_5 = arith.extui %sign3A_4 : i1 to i32
    %sign3A_6 = arith.subi %sign3A_2, %sign3A_5 : i32
    %sign3A_7 = arith.constant 0 : i32
    %sign3A_8 = arith.cmpi sgt, %jit3A, %sign3A_7 : i32
    %sign3A_9 = arith.extui %sign3A_8 : i1 to i32
    %sign3A_10 = arith.constant 0 : i32
    %sign3A_11 = arith.cmpi slt, %jit3A, %sign3A_10 : i32
    %sign3A_12 = arith.extui %sign3A_11 : i1 to i32
    %sign3A_13 = arith.subi %sign3A_9, %sign3A_12 : i32
    %ne3A = arith.cmpi ne, %sign3A_6, %sign3A_13 : i32
    %rem3A = arith.remsi %arg1, %jit3A : i32
    %ne3A_14 = arith.constant 0 : i32
    %ne3A_15 = arith.cmpi ne, %rem3A, %ne3A_14 : i32
    %and3A = arith.andi %ne3A, %ne3A_15 : i1
    %sub3A = arith.constant 1 : i32
    %sub3A_16 = arith.subi %div3A, %sub3A : i32
    %select_n3A = arith.select %and3A, %sub3A_16, %div3A : i32
    %add3A = arith.addi %mul3A_0, %select_n3A : i32
    %jit3A_17 = arith.constant 2 : i32
    %eq3A = arith.constant 0 : i32
    %eq3A_18 = arith.cmpi eq, %jit3A_17, %eq3A : i32
    %jit3A_19 = arith.constant 1 : i32
    %select_n3A_20 = arith.select %eq3A_18, %jit3A_19, %jit3A_17 : i32
    %rem3A_21 = arith.remsi %arg1, %select_n3A_20 : i32
    %ne3A_22 = arith.constant 0 : i32
    %ne3A_23 = arith.cmpi ne, %rem3A_21, %ne3A_22 : i32
    %lt3A = arith.constant 0 : i32
    %lt3A_24 = arith.cmpi slt, %rem3A_21, %lt3A : i32
    %lt3A_25 = arith.constant 0 : i32
    %lt3A_26 = arith.cmpi slt, %select_n3A_20, %lt3A_25 : i32
    %ne3A_27 = arith.xori %lt3A_24, %lt3A_26 : i1
    %and3A_28 = arith.andi %ne3A_27, %ne3A_23 : i1
    %add3A_29 = arith.addi %rem3A_21, %select_n3A_20 : i32
    %select_n3A_30 = arith.select %and3A_28, %add3A_29, %rem3A_21 : i32
    %xor3A = arith.constant 1 : i32
    %xor3A_31 = arith.xori %arg1, %xor3A : i32
    %mul3A_32 = arith.constant 8192 : i32
    %mul3A_33 = arith.muli %select_n3A_30, %mul3A_32 : i32
    %mul3A_34 = arith.constant 3 : i32
    %mul3A_35 = arith.muli %add3A, %mul3A_34 : i32
    %add3A_36 = arith.constant 0 : i32
    %add3A_37 = arith.addi %mul3A_35, %add3A_36 : i32
    %mul3A_38 = arith.constant 16384 : i32
    %mul3A_39 = arith.muli %add3A_37, %mul3A_38 : i32
    "tpu.region"() ({
      %run_scoped3A = tpu.sem_alloc : memref<!tpu.dma_semaphore, #tpu.memory_space<semaphore_mem>>
      %dma_start3A = tpu.memref_slice %arg2[%mul3A_39] : memref<786432xf32, #tpu.memory_space<hbm>> -> memref<16384xf32, #tpu.memory_space<hbm>>
      %dma_start3A_96 = tpu.memref_slice %arg2[%mul3A_39] : memref<786432xf32, #tpu.memory_space<hbm>> -> memref<16384xf32, #tpu.memory_space<hbm>>
      tpu.enqueue_dma source(%dma_start3A_96 : memref<16384xf32, #tpu.memory_space<hbm>>) target(%arg4 : memref<16384xf32, #tpu.memory_space<vmem>>) target_semaphore(%run_scoped3A : memref<!tpu.dma_semaphore, #tpu.memory_space<semaphore_mem>>)
      %dma_wait3A = tpu.memref_slice %arg2[%mul3A_39] : memref<786432xf32, #tpu.memory_space<hbm>> -> memref<16384xf32, #tpu.memory_space<hbm>>
      %dma_wait3A_97 = tpu.memref_slice %arg2[%mul3A_39] : memref<786432xf32, #tpu.memory_space<hbm>> -> memref<16384xf32, #tpu.memory_space<hbm>>
      tpu.wait_dma2 semaphore(%run_scoped3A : memref<!tpu.dma_semaphore, #tpu.memory_space<semaphore_mem>>) src(%dma_wait3A_97 : memref<16384xf32, #tpu.memory_space<hbm>>) dst(%arg4 : memref<16384xf32, #tpu.memory_space<vmem>>)
      tpu.yield
    }) : () -> ()
    %mul3A_40 = arith.constant 3 : i32
    %mul3A_41 = arith.muli %add3A, %mul3A_40 : i32
    %add3A_42 = arith.constant 1 : i32
    %add3A_43 = arith.addi %mul3A_41, %add3A_42 : i32
    %mul3A_44 = arith.constant 16384 : i32
    %mul3A_45 = arith.muli %add3A_43, %mul3A_44 : i32
    "tpu.region"() ({
      %run_scoped3A = tpu.sem_alloc : memref<!tpu.dma_semaphore, #tpu.memory_space<semaphore_mem>>
      %dma_start3A = tpu.memref_slice %arg2[%mul3A_45] : memref<786432xf32, #tpu.memory_space<hbm>> -> memref<16384xf32, #tpu.memory_space<hbm>>
      %dma_start3A_96 = tpu.memref_slice %arg2[%mul3A_45] : memref<786432xf32, #tpu.memory_space<hbm>> -> memref<16384xf32, #tpu.memory_space<hbm>>
      tpu.enqueue_dma source(%dma_start3A_96 : memref<16384xf32, #tpu.memory_space<hbm>>) target(%arg5 : memref<16384xf32, #tpu.memory_space<vmem>>) target_semaphore(%run_scoped3A : memref<!tpu.dma_semaphore, #tpu.memory_space<semaphore_mem>>)
      %dma_wait3A = tpu.memref_slice %arg2[%mul3A_45] : memref<786432xf32, #tpu.memory_space<hbm>> -> memref<16384xf32, #tpu.memory_space<hbm>>
      %dma_wait3A_97 = tpu.memref_slice %arg2[%mul3A_45] : memref<786432xf32, #tpu.memory_space<hbm>> -> memref<16384xf32, #tpu.memory_space<hbm>>
      tpu.wait_dma2 semaphore(%run_scoped3A : memref<!tpu.dma_semaphore, #tpu.memory_space<semaphore_mem>>) src(%dma_wait3A_97 : memref<16384xf32, #tpu.memory_space<hbm>>) dst(%arg5 : memref<16384xf32, #tpu.memory_space<vmem>>)
      tpu.yield
    }) : () -> ()
    %mul3A_46 = arith.constant 3 : i32
    %mul3A_47 = arith.muli %add3A, %mul3A_46 : i32
    %add3A_48 = arith.constant 2 : i32
    %add3A_49 = arith.addi %mul3A_47, %add3A_48 : i32
    %mul3A_50 = arith.constant 16384 : i32
    %mul3A_51 = arith.muli %add3A_49, %mul3A_50 : i32
    "tpu.region"() ({
      %run_scoped3A = tpu.sem_alloc : memref<!tpu.dma_semaphore, #tpu.memory_space<semaphore_mem>>
      %dma_start3A = tpu.memref_slice %arg2[%mul3A_51] : memref<786432xf32, #tpu.memory_space<hbm>> -> memref<16384xf32, #tpu.memory_space<hbm>>
      %dma_start3A_96 = tpu.memref_slice %arg2[%mul3A_51] : memref<786432xf32, #tpu.memory_space<hbm>> -> memref<16384xf32, #tpu.memory_space<hbm>>
      tpu.enqueue_dma source(%dma_start3A_96 : memref<16384xf32, #tpu.memory_space<hbm>>) target(%arg6 : memref<16384xf32, #tpu.memory_space<vmem>>) target_semaphore(%run_scoped3A : memref<!tpu.dma_semaphore, #tpu.memory_space<semaphore_mem>>)
      %dma_wait3A = tpu.memref_slice %arg2[%mul3A_51] : memref<786432xf32, #tpu.memory_space<hbm>> -> memref<16384xf32, #tpu.memory_space<hbm>>
      %dma_wait3A_97 = tpu.memref_slice %arg2[%mul3A_51] : memref<786432xf32, #tpu.memory_space<hbm>> -> memref<16384xf32, #tpu.memory_space<hbm>>
      tpu.wait_dma2 semaphore(%run_scoped3A : memref<!tpu.dma_semaphore, #tpu.memory_space<semaphore_mem>>) src(%dma_wait3A_97 : memref<16384xf32, #tpu.memory_space<hbm>>) dst(%arg6 : memref<16384xf32, #tpu.memory_space<vmem>>)
      tpu.yield
    }) : () -> ()
    %iota3A = tpu.iota {dimensions = array<i32: 0>} : vector<16xi32>
    %eq3A_52 = arith.constant 0 : i32
    %eq3A_53 = vector.broadcast %eq3A_52 : i32 to vector<16xi32>
    %eq3A_54 = arith.cmpi eq, %iota3A, %eq3A_53 : vector<16xi32>
    %broadcast_in_dim3A = arith.constant 1.000000e+10 : f32
    %broadcast_in_dim3A_55 = vector.broadcast %broadcast_in_dim3A : f32 to vector<16xf32>
    %parallel_loop3A = arith.constant 0 : i32
    %parallel_loop3A_56 = arith.constant 512 : i32
    %parallel_loop3A_57 = arith.constant 1 : i32
    scf.for %parallel_loop3A_96 = %parallel_loop3A to %parallel_loop3A_56 step %parallel_loop3A_57  : i32 {
      %parallel_loop3A_97 = arith.constant 16 : i32
      %parallel_loop3A_98 = arith.muli %parallel_loop3A_96, %parallel_loop3A_97 : i32
      %parallel_loop3A_99 = arith.index_cast %parallel_loop3A_98 : i32 to index
      %parallel_loop3A_100 = tpu.vector_load %arg7[%parallel_loop3A_99] {strides = array<i32>} : memref<8192xf32, #tpu.memory_space<vmem>>, vector<16xf32>,
      tpu.vector_store %arg7[%parallel_loop3A_99], %broadcast_in_dim3A_55 {strides = array<i32>} : memref<8192xf32, #tpu.memory_space<vmem>>, vector<16xf32>,
    } {sc.loop_unroll_factor = 8 : i64, sc.parallel_access}
    %reduce_min3A = arith.constant true
    %reduce_min3A_58 = vector.broadcast %reduce_min3A : i1 to vector<16xi1>
    %reduce_min3A_59 = arith.constant -2147483648 : i32
    %reduce_min3A_60 = vector.broadcast %reduce_min3A_59 : i32 to vector<16xi32>
    %reduce_min3A_61 = arith.xori %iota3A, %reduce_min3A_60 : vector<16xi32>
    %reduce_min3A_62 = tpu.scan <min>, %reduce_min3A_61 masked %reduce_min3A_58 : vector<16xi32>, vector<16xi1> -> vector<16xi32>
    %reduce_min3A_63 = arith.xori %reduce_min3A_62, %reduce_min3A_60 : vector<16xi32>
    %reduce_min3A_64 = vector.extract %reduce_min3A_63[15] : i32 from vector<16xi32>
    %broadcast_in_dim3A_65 = vector.broadcast %reduce_min3A_64 : i32 to vector<16xi32>
    %gather3A = tpu.vector_load_idx %arg4[%broadcast_in_dim3A_65] : memref<16384xf32, #tpu.memory_space<vmem>>[vector<16xi32>], vector<16xf32>,
    %gather3A_66 = tpu.vector_load_idx %arg5[%broadcast_in_dim3A_65] : memref<16384xf32, #tpu.memory_space<vmem>>[vector<16xi32>], vector<16xf32>,
    %gather3A_67 = tpu.vector_load_idx %arg6[%broadcast_in_dim3A_65] : memref<16384xf32, #tpu.memory_space<vmem>>[vector<16xi32>], vector<16xf32>,
    tpu.vector_store_idx %arg8[%broadcast_in_dim3A_65], %gather3A masked %eq3A_54 : memref<2048xf32, #tpu.memory_space<vmem>>[vector<16xi32>], vector<16xf32>, vector<16xi1>
    tpu.vector_store_idx %arg9[%broadcast_in_dim3A_65], %gather3A_66 masked %eq3A_54 : memref<2048xf32, #tpu.memory_space<vmem>>[vector<16xi32>], vector<16xf32>, vector<16xi1>
    tpu.vector_store_idx %arg10[%broadcast_in_dim3A_65], %gather3A_67 masked %eq3A_54 : memref<2048xf32, #tpu.memory_space<vmem>>[vector<16xi32>], vector<16xf32>, vector<16xi1>
    %eq3A_68 = arith.constant 0 : i32
    %eq3A_69 = vector.broadcast %eq3A_68 : i32 to vector<16xi32>
    %eq3A_70 = arith.cmpi eq, %iota3A, %eq3A_69 : vector<16xi32>
    %eq3A_71 = arith.constant 1 : i32
    %eq3A_72 = vector.broadcast %eq3A_71 : i32 to vector<16xi32>
    %eq3A_73 = arith.cmpi eq, %iota3A, %eq3A_72 : vector<16xi32>
    %eq3A_74 = arith.constant 2 : i32
    %eq3A_75 = vector.broadcast %eq3A_74 : i32 to vector<16xi32>
    %eq3A_76 = arith.cmpi eq, %iota3A, %eq3A_75 : vector<16xi32>
    %eq3A_77 = arith.constant 3 : i32
    %eq3A_78 = vector.broadcast %eq3A_77 : i32 to vector<16xi32>
    %eq3A_79 = arith.cmpi eq, %iota3A, %eq3A_78 : vector<16xi32>
    %broadcast_in_dim3A_80 = arith.constant 1 : i32
    %broadcast_in_dim3A_81 = vector.broadcast %broadcast_in_dim3A_80 : i32 to vector<16xi32>
    %broadcast_in_dim3A_82 = arith.constant 2 : i32
    %broadcast_in_dim3A_83 = vector.broadcast %broadcast_in_dim3A_82 : i32 to vector<16xi32>
    %broadcast_in_dim3A_84 = arith.constant 3 : i32
    %broadcast_in_dim3A_85 = vector.broadcast %broadcast_in_dim3A_84 : i32 to vector<16xi32>
    %broadcast_in_dim3A_86 = arith.constant 4 : i32
    %broadcast_in_dim3A_87 = vector.broadcast %broadcast_in_dim3A_86 : i32 to vector<16xi32>
    %scan3A = arith.constant 1 : i32
    %scan3A_88 = arith.constant 2047 : i32
    %scan3A_89 = arith.addi %scan3A, %scan3A_88 : i32
    %scan3A_90 = arith.constant 1 : i32
    %scan3A_91:3 = scf.for %scan3A_96 = %scan3A to %scan3A_89 step %scan3A_90 iter_args(%scan3A_97 = %gather3A, %scan3A_98 = %gather3A_66, %scan3A_99 = %gather3A_67) -> (vector<16xf32>, vector<16xf32>, vector<16xf32>)  : i32 {
      %broadcast_in_dim3A_100 = arith.constant 0xFF800000 : f32
      %broadcast_in_dim3A_101 = vector.broadcast %broadcast_in_dim3A_100 : f32 to vector<16xf32>
      %broadcast_in_dim3A_102 = arith.constant 0 : i32
      %broadcast_in_dim3A_103 = vector.broadcast %broadcast_in_dim3A_102 : i32 to vector<16xi32>
      %parallel_loop3A_104 = arith.constant 0 : i32
      %parallel_loop3A_105 = arith.constant 512 : i32
      %parallel_loop3A_106 = arith.constant 1 : i32
      %parallel_loop3A_107:2 = scf.for %parallel_loop3A_165 = %parallel_loop3A_104 to %parallel_loop3A_105 step %parallel_loop3A_106 iter_args(%parallel_loop3A_166 = %broadcast_in_dim3A_101, %parallel_loop3A_167 = %broadcast_in_dim3A_103) -> (vector<16xf32>, vector<16xi32>)  : i32 {
        %parallel_loop3A_168 = arith.constant 16 : i32
        %parallel_loop3A_169 = arith.muli %parallel_loop3A_165, %parallel_loop3A_168 : i32
        %parallel_loop3A_170 = arith.addi %mul3A_33, %parallel_loop3A_169 : i32
        %parallel_loop3A_171 = arith.index_cast %parallel_loop3A_170 : i32 to index
        %parallel_loop3A_172 = tpu.vector_load %arg4[%parallel_loop3A_171] {strides = array<i32>} : memref<16384xf32, #tpu.memory_space<vmem>>, vector<16xf32>,
        %parallel_loop3A_173 = arith.addi %mul3A_33, %parallel_loop3A_169 : i32
        %parallel_loop3A_174 = arith.index_cast %parallel_loop3A_173 : i32 to index
        %parallel_loop3A_175 = tpu.vector_load %arg5[%parallel_loop3A_174] {strides = array<i32>} : memref<16384xf32, #tpu.memory_space<vmem>>, vector<16xf32>,
        %parallel_loop3A_176 = arith.addi %mul3A_33, %parallel_loop3A_169 : i32
        %parallel_loop3A_177 = arith.index_cast %parallel_loop3A_176 : i32 to index
        %parallel_loop3A_178 = tpu.vector_load %arg6[%parallel_loop3A_177] {strides = array<i32>} : memref<16384xf32, #tpu.memory_space<vmem>>, vector<16xf32>,
        %parallel_loop3A_179 = arith.index_cast %parallel_loop3A_169 : i32 to index
        %parallel_loop3A_180 = tpu.vector_load %arg7[%parallel_loop3A_179] {strides = array<i32>} : memref<8192xf32, #tpu.memory_space<vmem>>, vector<16xf32>,
        %parallel_loop3A_181 = arith.subf %parallel_loop3A_172, %scan3A_97 : vector<16xf32>
        %parallel_loop3A_182 = arith.subf %parallel_loop3A_175, %scan3A_98 : vector<16xf32>
        %parallel_loop3A_183 = arith.subf %parallel_loop3A_178, %scan3A_99 : vector<16xf32>
        %parallel_loop3A_184 = arith.mulf %parallel_loop3A_181, %parallel_loop3A_181 : vector<16xf32>
        %parallel_loop3A_185 = arith.mulf %parallel_loop3A_183, %parallel_loop3A_183 : vector<16xf32>
        %parallel_loop3A_186 = arith.addf %parallel_loop3A_184, %parallel_loop3A_185 : vector<16xf32>
        %parallel_loop3A_187 = arith.mulf %parallel_loop3A_182, %parallel_loop3A_182 : vector<16xf32>
        %parallel_loop3A_188 = arith.addf %parallel_loop3A_186, %parallel_loop3A_187 : vector<16xf32>
        %parallel_loop3A_189 = arith.minimumf %parallel_loop3A_180, %parallel_loop3A_188 : vector<16xf32>
        %parallel_loop3A_190 = arith.index_cast %parallel_loop3A_169 : i32 to index
        %parallel_loop3A_191 = tpu.vector_load %arg7[%parallel_loop3A_190] {strides = array<i32>} : memref<8192xf32, #tpu.memory_space<vmem>>, vector<16xf32>,
        tpu.vector_store %arg7[%parallel_loop3A_190], %parallel_loop3A_189 {strides = array<i32>} : memref<8192xf32, #tpu.memory_space<vmem>>, vector<16xf32>,
        %parallel_loop3A_192 = arith.cmpf ogt, %parallel_loop3A_189, %parallel_loop3A_166 : vector<16xf32>
        %parallel_loop3A_193 = arith.select %parallel_loop3A_192, %parallel_loop3A_189, %parallel_loop3A_166 : vector<16xi1>, vector<16xf32>
        %parallel_loop3A_194 = arith.addi %mul3A_33, %parallel_loop3A_169 : i32
        %parallel_loop3A_195 = vector.broadcast %parallel_loop3A_194 : i32 to vector<16xi32>
        %parallel_loop3A_196 = arith.addi %parallel_loop3A_195, %iota3A : vector<16xi32>
        %parallel_loop3A_197 = arith.select %parallel_loop3A_192, %parallel_loop3A_196, %parallel_loop3A_167 : vector<16xi1>, vector<16xi32>
        scf.yield %parallel_loop3A_193, %parallel_loop3A_197 : vector<16xf32>, vector<16xi32>
      } {sc.loop_unroll_factor = 8 : i64, sc.parallel_access}
      %reduce_max3A = arith.constant true
      %reduce_max3A_108 = vector.broadcast %reduce_max3A : i1 to vector<16xi1>
      %reduce_max3A_109 = tpu.scan <max>, %parallel_loop3A_107#0 masked %reduce_max3A_108 : vector<16xf32>, vector<16xi1> -> vector<16xf32>
      %reduce_max3A_110 = vector.extract %reduce_max3A_109[15] : f32 from vector<16xf32>
      %eq3A_111 = vector.broadcast %reduce_max3A_110 : f32 to vector<16xf32>
      %eq3A_112 = arith.cmpf oeq, %parallel_loop3A_107#0, %eq3A_111 : vector<16xf32>
      %jit3A_113 = arith.constant 16384 : i32
      %broadcast_in_dim3A_114 = vector.broadcast %jit3A_113 : i32 to vector<16xi32>
      %select_n3A_115 = arith.select %eq3A_112, %parallel_loop3A_107#1, %broadcast_in_dim3A_114 : vector<16xi1>, vector<16xi32>
      %reduce_min3A_116 = arith.constant true
      %reduce_min3A_117 = vector.broadcast %reduce_min3A_116 : i1 to vector<16xi1>
      %reduce_min3A_118 = arith.constant -2147483648 : i32
      %reduce_min3A_119 = vector.broadcast %reduce_min3A_118 : i32 to vector<16xi32>
      %reduce_min3A_120 = arith.xori %select_n3A_115, %reduce_min3A_119 : vector<16xi32>
      %reduce_min3A_121 = tpu.scan <min>, %reduce_min3A_120 masked %reduce_min3A_117 : vector<16xi32>, vector<16xi1> -> vector<16xi32>
      %reduce_min3A_122 = arith.xori %reduce_min3A_121, %reduce_min3A_119 : vector<16xi32>
      %reduce_min3A_123 = vector.extract %reduce_min3A_122[15] : i32 from vector<16xi32>
      %broadcast_in_dim3A_124 = vector.broadcast %reduce_max3A_110 : f32 to vector<16xf32>
      %broadcast_in_dim3A_125 = vector.broadcast %reduce_min3A_123 : i32 to vector<16xi32>
      %gather3A_126 = tpu.vector_load_idx %arg4[%broadcast_in_dim3A_125] : memref<16384xf32, #tpu.memory_space<vmem>>[vector<16xi32>], vector<16xf32>,
      %gather3A_127 = tpu.vector_load_idx %arg5[%broadcast_in_dim3A_125] : memref<16384xf32, #tpu.memory_space<vmem>>[vector<16xi32>], vector<16xf32>,
      %gather3A_128 = tpu.vector_load_idx %arg6[%broadcast_in_dim3A_125] : memref<16384xf32, #tpu.memory_space<vmem>>[vector<16xi32>], vector<16xf32>,
      %bitcast3A = vector.bitcast %broadcast_in_dim3A_124 : vector<16xf32> to vector<16xi32>
      %bitcast3A_129 = vector.bitcast %gather3A_126 : vector<16xf32> to vector<16xi32>
      %bitcast3A_130 = vector.bitcast %gather3A_127 : vector<16xf32> to vector<16xi32>
      %bitcast3A_131 = vector.bitcast %gather3A_128 : vector<16xf32> to vector<16xi32>
      %select_n3A_132 = arith.select %eq3A_79, %bitcast3A_130, %bitcast3A_131 : vector<16xi1>, vector<16xi32>
      %select_n3A_133 = arith.select %eq3A_76, %bitcast3A_129, %select_n3A_132 : vector<16xi1>, vector<16xi32>
      %select_n3A_134 = arith.select %eq3A_73, %broadcast_in_dim3A_125, %select_n3A_133 : vector<16xi1>, vector<16xi32>
      %select_n3A_135 = arith.select %eq3A_70, %bitcast3A, %select_n3A_134 : vector<16xi1>, vector<16xi32>
      %swap3A = arith.constant 0 : index
      %swap3A_136 = tpu.vector_load %arg11[%swap3A] {strides = array<i32>} : memref<16xi32, #tpu.memory_space<vmem>>, vector<16xi32>,
      tpu.vector_store %arg11[%swap3A], %select_n3A_135 {strides = array<i32>} : memref<16xi32, #tpu.memory_space<vmem>>, vector<16xi32>,
      %and3A_137 = arith.constant 1 : i32
      %and3A_138 = arith.andi %scan3A_96, %and3A_137 : i32
      %mul3A_139 = arith.constant 16 : i32
      %mul3A_140 = arith.muli %and3A_138, %mul3A_139 : i32
      %add3A_141 = arith.addi %mul3A_140, %arg1 : i32
      %mul3A_142 = arith.constant 16 : i32
      %mul3A_143 = arith.muli %add3A_141, %mul3A_142 : i32
      "tpu.region"() ({
        %run_scoped3A = tpu.sem_alloc : memref<!tpu.dma_semaphore, #tpu.memory_space<semaphore_mem>>
        %dma_start3A = tpu.memref_slice %arg13[%mul3A_143] : memref<512xi32, #tpu.memory_space<vmem_shared>> -> memref<16xi32, #tpu.memory_space<vmem_shared>>
        %dma_start3A_165 = tpu.memref_slice %arg13[%mul3A_143] : memref<512xi32, #tpu.memory_space<vmem_shared>> -> memref<16xi32, #tpu.memory_space<vmem_shared>>
        tpu.enqueue_dma source(%arg11 : memref<16xi32, #tpu.memory_space<vmem>>) target(%dma_start3A_165 : memref<16xi32, #tpu.memory_space<vmem_shared>>) target_semaphore(%run_scoped3A : memref<!tpu.dma_semaphore, #tpu.memory_space<semaphore_mem>>)
        %dma_wait3A = tpu.memref_slice %arg13[%mul3A_143] : memref<512xi32, #tpu.memory_space<vmem_shared>> -> memref<16xi32, #tpu.memory_space<vmem_shared>>
        %dma_wait3A_166 = tpu.memref_slice %arg13[%mul3A_143] : memref<512xi32, #tpu.memory_space<vmem_shared>> -> memref<16xi32, #tpu.memory_space<vmem_shared>>
        tpu.wait_dma2 semaphore(%run_scoped3A : memref<!tpu.dma_semaphore, #tpu.memory_space<semaphore_mem>>) src(%arg11 : memref<16xi32, #tpu.memory_space<vmem>>) dst(%dma_wait3A_166 : memref<16xi32, #tpu.memory_space<vmem_shared>>)
        tpu.yield
      }) : () -> ()
      %barrier3A = arith.constant 0 : index
      tpu.barrier barrier_id(%barrier3A)
      %mul3A_144 = arith.constant 16 : i32
      %mul3A_145 = arith.muli %and3A_138, %mul3A_144 : i32
      %add3A_146 = arith.addi %mul3A_145, %xor3A_31 : i32
      %mul3A_147 = arith.constant 16 : i32
      %mul3A_148 = arith.muli %add3A_146, %mul3A_147 : i32
      "tpu.region"() ({
        %run_scoped3A = tpu.sem_alloc : memref<!tpu.dma_semaphore, #tpu.memory_space<semaphore_mem>>
        %dma_start3A = tpu.memref_slice %arg13[%mul3A_148] : memref<512xi32, #tpu.memory_space<vmem_shared>> -> memref<16xi32, #tpu.memory_space<vmem_shared>>
        %dma_start3A_165 = tpu.memref_slice %arg13[%mul3A_148] : memref<512xi32, #tpu.memory_space<vmem_shared>> -> memref<16xi32, #tpu.memory_space<vmem_shared>>
        tpu.enqueue_dma source(%dma_start3A_165 : memref<16xi32, #tpu.memory_space<vmem_shared>>) target(%arg12 : memref<16xi32, #tpu.memory_space<vmem>>) target_semaphore(%run_scoped3A : memref<!tpu.dma_semaphore, #tpu.memory_space<semaphore_mem>>)
        %dma_wait3A = tpu.memref_slice %arg13[%mul3A_148] : memref<512xi32, #tpu.memory_space<vmem_shared>> -> memref<16xi32, #tpu.memory_space<vmem_shared>>
        %dma_wait3A_166 = tpu.memref_slice %arg13[%mul3A_148] : memref<512xi32, #tpu.memory_space<vmem_shared>> -> memref<16xi32, #tpu.memory_space<vmem_shared>>
        tpu.wait_dma2 semaphore(%run_scoped3A : memref<!tpu.dma_semaphore, #tpu.memory_space<semaphore_mem>>) src(%dma_wait3A_166 : memref<16xi32, #tpu.memory_space<vmem_shared>>) dst(%arg12 : memref<16xi32, #tpu.memory_space<vmem>>)
        tpu.yield
      }) : () -> ()
      %gather3A_149 = tpu.vector_load_idx %arg12[%broadcast_in_dim3A_65] : memref<16xi32, #tpu.memory_space<vmem>>[vector<16xi32>], vector<16xi32>,
      %bitcast3A_150 = vector.bitcast %gather3A_149 : vector<16xi32> to vector<16xf32>
      %gather3A_151 = tpu.vector_load_idx %arg12[%broadcast_in_dim3A_81] : memref<16xi32, #tpu.memory_space<vmem>>[vector<16xi32>], vector<16xi32>,
      %gather3A_152 = tpu.vector_load_idx %arg12[%broadcast_in_dim3A_83] : memref<16xi32, #tpu.memory_space<vmem>>[vector<16xi32>], vector<16xi32>,
      %bitcast3A_153 = vector.bitcast %gather3A_152 : vector<16xi32> to vector<16xf32>
      %gather3A_154 = tpu.vector_load_idx %arg12[%broadcast_in_dim3A_85] : memref<16xi32, #tpu.memory_space<vmem>>[vector<16xi32>], vector<16xi32>,
      %bitcast3A_155 = vector.bitcast %gather3A_154 : vector<16xi32> to vector<16xf32>
      %gather3A_156 = tpu.vector_load_idx %arg12[%broadcast_in_dim3A_87] : memref<16xi32, #tpu.memory_space<vmem>>[vector<16xi32>], vector<16xi32>,
      %bitcast3A_157 = vector.bitcast %gather3A_156 : vector<16xi32> to vector<16xf32>
      %gt3A = arith.cmpf ogt, %broadcast_in_dim3A_124, %bitcast3A_150 : vector<16xf32>
      %eq3A_158 = arith.cmpf oeq, %broadcast_in_dim3A_124, %bitcast3A_150 : vector<16xf32>
      %lt3A_159 = arith.cmpi slt, %broadcast_in_dim3A_125, %gather3A_151 : vector<16xi32>
      %and3A_160 = arith.andi %eq3A_158, %lt3A_159 : vector<16xi1>
      %or3A = arith.ori %gt3A, %and3A_160 : vector<16xi1>
      %select_n3A_161 = arith.select %or3A, %gather3A_126, %bitcast3A_153 : vector<16xi1>, vector<16xf32>
      %select_n3A_162 = arith.select %or3A, %gather3A_127, %bitcast3A_155 : vector<16xi1>, vector<16xf32>
      %select_n3A_163 = arith.select %or3A, %gather3A_128, %bitcast3A_157 : vector<16xi1>, vector<16xf32>
      %broadcast_in_dim3A_164 = vector.broadcast %scan3A_96 : i32 to vector<16xi32>
      tpu.vector_store_idx %arg8[%broadcast_in_dim3A_164], %select_n3A_161 masked %eq3A_54 : memref<2048xf32, #tpu.memory_space<vmem>>[vector<16xi32>], vector<16xf32>, vector<16xi1>
      tpu.vector_store_idx %arg9[%broadcast_in_dim3A_164], %select_n3A_162 masked %eq3A_54 : memref<2048xf32, #tpu.memory_space<vmem>>[vector<16xi32>], vector<16xf32>, vector<16xi1>
      tpu.vector_store_idx %arg10[%broadcast_in_dim3A_164], %select_n3A_163 masked %eq3A_54 : memref<2048xf32, #tpu.memory_space<vmem>>[vector<16xi32>], vector<16xf32>, vector<16xi1>
      scf.yield %select_n3A_161, %select_n3A_162, %select_n3A_163 : vector<16xf32>, vector<16xf32>, vector<16xf32>
    }
    %scan3A_92 = arith.constant 2047 : i32
    %eq3A_93 = arith.constant 0 : i32
    %eq3A_94 = arith.cmpi eq, %select_n3A_30, %eq3A_93 : i32
    %convert_element_type3A = arith.extui %eq3A_94 : i1 to i32
    %cond3A = arith.constant 0 : i32
    %cond3A_95 = arith.cmpi ne, %convert_element_type3A, %cond3A : i32
    scf.if %cond3A_95 {
      %mul3A_96 = arith.constant 3 : i32
      %mul3A_97 = arith.muli %add3A, %mul3A_96 : i32
      %add3A_98 = arith.constant 0 : i32
      %add3A_99 = arith.addi %mul3A_97, %add3A_98 : i32
      %mul3A_100 = arith.constant 2048 : i32
      %mul3A_101 = arith.muli %add3A_99, %mul3A_100 : i32
      "tpu.region"() ({
        %run_scoped3A = tpu.sem_alloc : memref<!tpu.dma_semaphore, #tpu.memory_space<semaphore_mem>>
        %dma_start3A = tpu.memref_slice %arg3[%mul3A_101] : memref<98304xf32, #tpu.memory_space<hbm>> -> memref<2048xf32, #tpu.memory_space<hbm>>
        %dma_start3A_114 = tpu.memref_slice %arg3[%mul3A_101] : memref<98304xf32, #tpu.memory_space<hbm>> -> memref<2048xf32, #tpu.memory_space<hbm>>
        tpu.enqueue_dma source(%arg8 : memref<2048xf32, #tpu.memory_space<vmem>>) target(%dma_start3A_114 : memref<2048xf32, #tpu.memory_space<hbm>>) target_semaphore(%run_scoped3A : memref<!tpu.dma_semaphore, #tpu.memory_space<semaphore_mem>>)
        %dma_wait3A = tpu.memref_slice %arg3[%mul3A_101] : memref<98304xf32, #tpu.memory_space<hbm>> -> memref<2048xf32, #tpu.memory_space<hbm>>
        %dma_wait3A_115 = tpu.memref_slice %arg3[%mul3A_101] : memref<98304xf32, #tpu.memory_space<hbm>> -> memref<2048xf32, #tpu.memory_space<hbm>>
        tpu.wait_dma2 semaphore(%run_scoped3A : memref<!tpu.dma_semaphore, #tpu.memory_space<semaphore_mem>>) src(%arg8 : memref<2048xf32, #tpu.memory_space<vmem>>) dst(%dma_wait3A_115 : memref<2048xf32, #tpu.memory_space<hbm>>)
        tpu.yield
      }) : () -> ()
      %mul3A_102 = arith.constant 3 : i32
      %mul3A_103 = arith.muli %add3A, %mul3A_102 : i32
      %add3A_104 = arith.constant 1 : i32
      %add3A_105 = arith.addi %mul3A_103, %add3A_104 : i32
      %mul3A_106 = arith.constant 2048 : i32
      %mul3A_107 = arith.muli %add3A_105, %mul3A_106 : i32
      "tpu.region"() ({
        %run_scoped3A = tpu.sem_alloc : memref<!tpu.dma_semaphore, #tpu.memory_space<semaphore_mem>>
        %dma_start3A = tpu.memref_slice %arg3[%mul3A_107] : memref<98304xf32, #tpu.memory_space<hbm>> -> memref<2048xf32, #tpu.memory_space<hbm>>
        %dma_start3A_114 = tpu.memref_slice %arg3[%mul3A_107] : memref<98304xf32, #tpu.memory_space<hbm>> -> memref<2048xf32, #tpu.memory_space<hbm>>
        tpu.enqueue_dma source(%arg9 : memref<2048xf32, #tpu.memory_space<vmem>>) target(%dma_start3A_114 : memref<2048xf32, #tpu.memory_space<hbm>>) target_semaphore(%run_scoped3A : memref<!tpu.dma_semaphore, #tpu.memory_space<semaphore_mem>>)
        %dma_wait3A = tpu.memref_slice %arg3[%mul3A_107] : memref<98304xf32, #tpu.memory_space<hbm>> -> memref<2048xf32, #tpu.memory_space<hbm>>
        %dma_wait3A_115 = tpu.memref_slice %arg3[%mul3A_107] : memref<98304xf32, #tpu.memory_space<hbm>> -> memref<2048xf32, #tpu.memory_space<hbm>>
        tpu.wait_dma2 semaphore(%run_scoped3A : memref<!tpu.dma_semaphore, #tpu.memory_space<semaphore_mem>>) src(%arg9 : memref<2048xf32, #tpu.memory_space<vmem>>) dst(%dma_wait3A_115 : memref<2048xf32, #tpu.memory_space<hbm>>)
        tpu.yield
      }) : () -> ()
      %mul3A_108 = arith.constant 3 : i32
      %mul3A_109 = arith.muli %add3A, %mul3A_108 : i32
      %add3A_110 = arith.constant 2 : i32
      %add3A_111 = arith.addi %mul3A_109, %add3A_110 : i32
      %mul3A_112 = arith.constant 2048 : i32
      %mul3A_113 = arith.muli %add3A_111, %mul3A_112 : i32
      "tpu.region"() ({
        %run_scoped3A = tpu.sem_alloc : memref<!tpu.dma_semaphore, #tpu.memory_space<semaphore_mem>>
        %dma_start3A = tpu.memref_slice %arg3[%mul3A_113] : memref<98304xf32, #tpu.memory_space<hbm>> -> memref<2048xf32, #tpu.memory_space<hbm>>
        %dma_start3A_114 = tpu.memref_slice %arg3[%mul3A_113] : memref<98304xf32, #tpu.memory_space<hbm>> -> memref<2048xf32, #tpu.memory_space<hbm>>
        tpu.enqueue_dma source(%arg10 : memref<2048xf32, #tpu.memory_space<vmem>>) target(%dma_start3A_114 : memref<2048xf32, #tpu.memory_space<hbm>>) target_semaphore(%run_scoped3A : memref<!tpu.dma_semaphore, #tpu.memory_space<semaphore_mem>>)
        %dma_wait3A = tpu.memref_slice %arg3[%mul3A_113] : memref<98304xf32, #tpu.memory_space<hbm>> -> memref<2048xf32, #tpu.memory_space<hbm>>
        %dma_wait3A_115 = tpu.memref_slice %arg3[%mul3A_113] : memref<98304xf32, #tpu.memory_space<hbm>> -> memref<2048xf32, #tpu.memory_space<hbm>>
        tpu.wait_dma2 semaphore(%run_scoped3A : memref<!tpu.dma_semaphore, #tpu.memory_space<semaphore_mem>>) src(%arg10 : memref<2048xf32, #tpu.memory_space<vmem>>) dst(%dma_wait3A_115 : memref<2048xf32, #tpu.memory_space<hbm>>)
        tpu.yield
      }) : () -> ()
    } else {
    }
    return
  }
}

</mosaic_0001>

<sc_bundles>
// kernel: kernel.3.cloned.1.call-start
scs
__scs_entry_jumppad:
0x0: {  	(pc) =	sbr.rel $0x88, $3  }
0x1: {  	(tag) =	ssettag $0x0;
	lr =	simm.s32 $0x1  }
0x2: {  	[smem:$0x3FA0] =	sst lr;
	_ =	strace $0xD0000000  }
0x3: {  	_ = 	snop  }
0x4: {  	_ = 	snop  }
0x5: {  	_ = 	snop  }
0x6: {  	_ = 	snop  }
0x7: {  	_ = 	snop  }
__scs_overlays_trampoline_lowered:
0x8: {  	[smem:$0x3FAF] =	sst s0  }
0x9: {  	[smem:$0x3FB0] =	sst s1  }
0xa: {  	[smem:$0x3FB1] =	sst s2  }
0xb: {  	[smem:$0x3FB2] =	sst s3  }
0xc: {  	[smem:$0x3FB3] =	sst s4  }
0xd: {  	[smem:$0x3FB4] =	sst s5  }
0xe: {  	[smem:$0x3FB5] =	sst s6  }
0xf: {  	[smem:$0x3FB6] =	sst s7  }
0x10: {  	[smem:$0x3FB7] =	sst s8  }
0x11: {  	[smem:$0x3FB8] =	sst s9;
	s0 =	simm.s32 @!p0 $0x0  }
0x12: {  	s1 =	sld [smem:$0x3F9E];
	s0 =	simm.s32 @p0 $0x1  }
0x13: {  	[smem:$0x3FB9] =	sst s0;
	s0 =	simm.s32 @!p1 $0x0  }
0x14: {  	s2 =	sld [smem:$0x3F9D];
	s0 =	simm.s32 @p1 $0x1  }
0x15: {  	[smem:$0x3FBA] =	sst s0;
	s0 =	simm.s32 @!p2 $0x0  }
0x16: {  	s3 =	sld [smem:$0x3FDB];
	s0 =	simm.s32 @p2 $0x1  }
0x17: {  	s4 =	simm.s32 $0x1BF5;
	[smem:$0x3FBC] =	sst s0  }
0x18: {  	s0 =	sld [smem:$0x3F9F];
	_ =	swait.ge [sflag:s4], $0x0  }
0x19: {  	s7 =	sld [smem:$0x3FA0]  }
0x1a: {  	s8 =	sadd.s32 $0xFFFFE003, lr  }
0x1b: {  	s9 =	sadd.s32 $0xFFFFFEF7, lr;
	s5 =	simm.s32 $0xFFFFFFFF;
	p2 =	slt.u32 s8, $0xFFFFF086  }
0x1c: {  	p1 =	slt.u32 s9, $0xF7A;
	s5 =	simm.s32 @!p2 $0x0  }
0x1d: {  	s5 =	simm.s32 @p1 $0x1;
	p0 =	seq.s32 s7, s2  }
0x1e: {  	s7 =	smul.u32 @!p0 $0xF7A, s2;
	p2 =	seq.s32 @!p0 s5, $0x0  }
0x1f: {  	s9 =	smul.u32 $0xF7A, s1;
	s8 =	simm.s32 @!p0 $0x1BF5;
	p2 =	por !p2, p0  }
0x20: {  	[sflag:s8] =	ssyncset.s32 @!p0 $0xFFFFF086;
	s6 =	sadd.s32 @!p0 s3, s7;
	s7 =	simm.s32 @!p0 $0x108  }
0x21: {  	s3 =	sadd.s32 s3, s9;
	s6 =	sadd.s32 @!p0 $0x88, s6;
	s7 =	simm.s32 @p2 $0x1082  }
0x22: {  	[simem:s7], [sflag:s8] =	dma.local @!p0 [hbm:s6], $0xF7A  }
0x23: {  	s9 =	sor.u32 $0xD0000000, s2;
	s6 =	simm.s32 $0x108;
	_ =	swait.ge @!p0 [sflag:s8], $0x0  }
0x24: {  	s3 =	sadd.s32 $0x88, s3;
	s6 =	simm.s32 @!p1 $0x1082;
	[sflag:s4] =	ssyncset.s32 $0xFFFFF086  }
0x25: {  	[simem:s6], [sflag:s4] =	dma.local [hbm:s3], $0xF7A  }
0x26: {  	[smem:$0x3FA0] =	sst s1;
	(tag) =	ssettag s2;
	_ =	strace s9  }
0x27: {  	s1 =	sld [smem:$0x3FB0]  }
0x28: {  	s2 =	sld [smem:$0x3FB1]  }
0x29: {  	s4 =	sld [smem:$0x3FB3]  }
0x2a: {  	p0 =	seq.s32 s5, $0x0;
	s5 =	sld [smem:$0x3FB4]  }
0x2b: {  	s6 =	sld [smem:$0x3FB5]  }
0x2c: {  	s7 =	sld [smem:$0x3FB6]  }
0x2d: {  	s3 =	simm.s32 $0x108;
	s8 =	sld [smem:$0x3FB7]  }
0x2e: {  	s3 =	simm.s32 @!p0 $0x1082;
	s9 =	sld [smem:$0x3FB8]  }
0x2f: {  	lr =	sadd.s32 s0, s3;
	s0 =	sld [smem:$0x3FAF]  }
0x30: {  	s3 =	sld [smem:$0x3FB2]  }
0x31: {  	[smem:$0x3FBB] =	sst s10  }
0x32: {  	s10 =	sld [smem:$0x3FB9];
	_ =	sdelay $0x3  }
0x33: {  	p0 =	seq.s32 s10, $0x1;
	s10 =	sld [smem:$0x3FBB];
	_ =	sdelay $0x3  }
0x34: {  	[smem:$0x3FBB] =	sst s10  }
0x35: {  	s10 =	sld [smem:$0x3FBA];
	_ =	sdelay $0x3  }
0x36: {  	p1 =	seq.s32 s10, $0x1;
	s10 =	sld [smem:$0x3FBB];
	_ =	sdelay $0x3  }
0x37: {  	[smem:$0x3FBB] =	sst s10  }
0x38: {  	s10 =	sld [smem:$0x3FBC]  }
0x39: {  	_ = 	snop;
	(pc) =	sbr.ind lr, $3  }
0x3a: {  	_ = 	snop  }
0x3b: {  	_ = 	snop  }
0x3c: {  	p2 =	seq.s32 s10, $0x1;
	s10 =	sld [smem:$0x3FBB]  }
0x3d: {  	_ =	shalt  }
0x3e: {  	_ =	shalt  }
0x3f: {  	_ =	shalt  }
0x40: {  	_ =	shalt  }
0x41: {  	_ =	shalt  }
0x42: {  	_ =	shalt  }
0x43: {  	_ =	shalt  }
0x44: {  	_ =	shalt  }
0x45: {  	_ =	shalt  }
0x46: {  	_ =	shalt  }
0x47: {  	_ =	shalt  }
0x48: {  	_ =	shalt  }
0x49: {  	_ =	shalt  }
0x4a: {  	_ =	shalt  }
0x4b: {  	_ =	shalt  }
0x4c: {  	_ =	shalt  }
0x4d: {  	_ =	shalt  }
0x4e: {  	_ =	shalt  }
0x4f: {  	_ =	shalt  }
0x50: {  	_ =	shalt  }
0x51: {  	_ =	shalt  }
0x52: {  	_ =	shalt  }
0x53: {  	_ =	shalt  }
0x54: {  	_ =	shalt  }
0x55: {  	_ =	shalt  }
0x56: {  	_ =	shalt  }
0x57: {  	_ =	shalt  }
0x58: {  	_ =	shalt  }
0x59: {  	_ =	shalt  }
0x5a: {  	_ =	shalt  }
0x5b: {  	_ =	shalt  }
0x5c: {  	_ =	shalt  }
0x5d: {  	_ =	shalt  }
0x5e: {  	_ =	shalt  }
0x5f: {  	_ =	shalt  }
0x60: {  	_ =	shalt  }
0x61: {  	_ =	shalt  }
0x62: {  	_ =	shalt  }
0x63: {  	_ =	shalt  }
0x64: {  	_ =	shalt  }
0x65: {  	_ =	shalt  }
0x66: {  	_ =	shalt  }
0x67: {  	_ =	shalt  }
0x68: {  	_ =	shalt  }
0x69: {  	_ =	shalt  }
0x6a: {  	_ =	shalt  }
0x6b: {  	_ =	shalt  }
0x6c: {  	_ =	shalt  }
0x6d: {  	_ =	shalt  }
0x6e: {  	_ =	shalt  }
0x6f: {  	_ =	shalt  }
0x70: {  	_ =	shalt  }
0x71: {  	_ =	shalt  }
0x72: {  	_ =	shalt  }
0x73: {  	_ =	shalt  }
0x74: {  	_ =	shalt  }
0x75: {  	_ =	shalt  }
0x76: {  	_ =	shalt  }
0x77: {  	_ =	shalt  }
0x78: {  	_ =	shalt  }
0x79: {  	_ =	shalt  }
0x7a: {  	_ =	shalt  }
0x7b: {  	_ =	shalt  }
0x7c: {  	_ =	shalt  }
0x7d: {  	_ =	shalt  }
0x7e: {  	_ =	shalt  }
0x7f: {  	_ =	shalt  }
0x80: {  	_ =	shalt  }
0x81: {  	_ =	shalt  }
0x82: {  	_ =	shalt  }
0x83: {  	_ =	shalt  }
0x84: {  	_ =	shalt  }
0x85: {  	_ =	shalt  }
0x86: {  	_ =	shalt  }
0x87: {  	_ =	shalt  }
.Lfunc_end0:
.L_simem_size_0:
called_computation_lowered:
.L_overlay_start_0:
0x88: {  	s2 =	sld [smem:$0x3FD9]  }
0x89: {  	s3 =	sld [smem:$0x3FFE];
	_ =	sdelay $0x1  }
0x8a: {  	s1 =	srdreg.scid  }
0x8b: {  	s0 =	sand.u32 $0x1, s1  }
0x8c: {  	s17 =	sshll.u32 s0, $0xA;
	s2 =	sadd.s32 s3, s2  }
0x8d: {  	s2 =	sadd.s32 s2, s17  }
0x8e: {  	[smem:$0x3FC7] =	sst s2  }
0x8f: {  	_ = 	snop  }
0x90: {  	s2 =	sld [smem:$0x3FD0];
	(tm) =	ssettm $0x1  }
0x91: {  	s18 =	sld [smem:$0x3FFB];
	_ =	sdelay $0x3  }
0x92: {  	_ =	strace s18  }
0x93: {  	s3 =	sld [smem:$0x3FFC];
	_ =	sdelay $0x3  }
0x94: {  	_ =	strace s3  }
0x95: {  	s3 =	sld [smem:$0x3FFD];
	_ =	sdelay $0x3  }
0x96: {  	_ =	strace s3  }
0x97: {  	_ =	strace $0x8FFFFFFF  }
0x98: {  	s19 =	sld [smem:$0x3FDB];
	_ =	sdelay $0x1  }
0x99: {  	s4 =	simm.s32 $_scs_section_size  }
0x9a: {  	s5 =	simm.s32 $_size__tile_overlayer_lowered;
	s6 =	simm.s32 $_tile_overlayer_lowered  }
0x9b: {  	s22 =	simm.s32 $0x1BFF;
	s21 =	sshll.u32 s6, $0x1;
	s3 =	sadd.s32 s4, s19  }
0x9c: {  	s7 =	simm.s32 $0x0;
	s20 =	sshll.u32 s5, $0x1;
	s5 =	sadd.s32 s21, s3  }
0x9d: {  	[timem:s7], [sflag:s22] =	dma.local [hbm:s5], s20  }
0x9e: {  	_ =	swait.ge [sflag:s22], s20  }
0x9f: {  	s4 =	ssub.s32 $0x0, s20;
	[sflag:s22] =	ssyncset.done $0x0  }
0xa0: {  	[sflag:s22] =	ssyncadd.s32 s4;
	_ =	sdelay $0x1  }
0xa1: {  	s23 =	simm.s32 $0x1B8B  }
0xa2: {  	_ =	swait.ge [sflag:s23], $0x1  }
0xa3: {  	[sflag:s23] =	ssyncset.done $0x0  }
0xa4: {  	s25 =	simm.s32 $0x1B8E;
	s24 =	sld [smem:$0x3FFE];
	[sflag:s23] =	ssyncadd.s32 $0xFFFFFFFF  }
0xa5: {  	s26 =	simm.s32 $execute0_lowered;
	[smem:$0x3FD2] =	sst s25  }
0xa6: {  	s5 =	sshll.u32 s26, $0x1;
	_ =	strace $0x80000046;
	[dreg:$0x1] =	wrdreg $0xFFFFFFFF  }
0xa7: {  	s28 =	simm.s32 $_size_execute0_lowered;
	s3 =	sadd.s32 s3, s5;
	[dreg:$0x0] =	wrdreg $0x0  }
0xa8: {  	s5 =	sshll.u32 s28, $0x1;
	[dreg:$0x2] =	wrdreg s3  }
0xa9: {  	[dreg:$0x3] =	wrdreg s5  }
0xaa: {  	[dreg:$0x4] =	wrdreg $0xC0  }
0xab: {  	_ =	task [dreg:s7], $0x5FFFF  }
0xac: {  	[dreg:$0x1] =	wrdreg $0xFFFFFFFF  }
0xad: {  	[dreg:$0x0] =	wrdreg $0x60  }
0xae: {  	[dreg:$0x2] =	wrdreg s24  }
0xaf: {  	[dreg:$0x3] =	wrdreg s2  }
0xb0: {  	[dreg:$0x4] =	wrdreg $0xF9000  }
0xb1: {  	[dreg:$0x5] =	wrdreg $0x9  }
0xb2: {  	_ =	task.clear_ibuf [dreg:s7], $0x6FFFF;
	_ =	strace $0x90000046  }
0xb3: {  	s29 =	simm.s32 $0x9;
	_ =	strace $0x80000048  }
0xb4: {  	_ =	swait.ge [sflag:s29], $0x1  }
0xb5: {  	[sflag:s29] =	ssyncadd.s32 $0xFFFFFFFF  }
0xb6: {  	_ =	strace $0x90000048  }
0xb7: {  	_ =	sfence  }
0xb8: {  	s30 =	sld [smem:$0x0];
	_ =	sdelay $0x2  }
0xb9: {  	s31 =	sshll.u32 s1, $0xD;
	s1 =	sshrl.u32 s1, $0x2  }
0xba: {  	s3 =	sand.u32 $0x4000, s31;
	s1 =	sadd.s32 s1, s30  }
0xbb: {  	s0 =	sor.u32 s3, s0;
	s1 =	sshll.u32 s1, $0x11  }
0xbc: {  	s0 =	sor.u32 s1, s0  }
0xbd: {  	s0 =	sadd.s32 $0x8F2B, s0  }
0xbe: {  	[sflag:s0] =	ssyncadd.remote.s32 $0x1  }
0xbf: {  	_ =	sfence.sel $0xFFFF  }
0xc0: {  	[dreg:$0x0] =	wrdreg $0xFFFFFFFF;
	(pc) =	sbr.abs _section_cstart, $3  }
0xc1: {  	[dreg:$0x1] =	wrdreg $0xFFFFFFFF  }
0xc2: {  	_ =	task.clear_ibuf [dreg:s7], $0x2FFFF;
	_ =	strace $0x9FFFFFFF  }
0xc3: {  	(tm) =	ssettm $0x7FFFFFFF  }
tec
execute0_lowered:
.L_overlay_start_1:
0x0: {  	(tag) =	ssettag $0x1  }
0x1: {  	s4 =	rddreg [dreg:$0x0]  }
0x2: {  	s9 =	rddreg [dreg:$0x1];
	s2 =	simm.s32 $0x0  }
0x3: {  	v0 =	vlaneseq.u32;
	[smem:$0x7FF] =	sst s2  }
0x4: {  	s1 =	rddreg [dreg:$0x2];
	v1 =	vor.u32 $0x80000000, v0;
	_ =	strace $0x80000047  }
0x5: {  	(xrf0) =	vmin.scan.msk.u32 $0xffff, v1;
	_ =	sdelay $0x5  }
0x6: {  	v1, _, _ =	vpop (xrf0)  }
0x7: {  	(v2sf) =	vpush v1, $0xF;
	_ =	sdelay $0x2  }
0x8: {  	s5 =	srdreg.scid;
	s3 =	stileid.u32;
	s15 =	simm.s32 $0x4000  }
0x9: {  	s16 =	simm.s32 $0x1;
	s17 =	simm.s32 $0x8000;
	s18 =	simm.s32 $0xE000  }
0xa: {  	s19 =	simm.s32 $0xE800;
	s20 =	simm.s32 $0xF000;
	s5 =	sand.u32 $0x1, s5  }
0xb: {  	s21 =	simm.s32 $0xF800;
	s7 =	sshrl.u32 s3, $0x1;
	s6 =	sshll.u32 s5, $0x3  }
0xc: {  	s22 =	simm.s32 $0xF880;
	s10 =	sadd.s32 $0x400, s4;
	s7 =	sor.u32 s7, s6  }
0xd: {  	s23 =	sand.u32 $0x1, s3;
	s5 =	ssub.s32 $0x2, s5;
	s8 =	smul.u32 $0x3, s7  }
0xe: {  	s14 =	sshll.u32 s23, $0xD;
	p0 =	sne.s32 s23, $0x0;
	s25 =	smul.u32 $0x1800, s7  }
0xf: {  	s23 =	simm.s32 $0x0;
	s24 =	sshrl.u32 s5, $0x1;
	s7 =	smul.u32 $0x300, s7  }
0x10: {  	s11 =	ssub.s32 s5, s24;
	s12 =	sadd.s32 $0x1, s8;
	s8 =	sadd.s32 $0x2, s8  }
0x11: {  	s0 =	sadd.s32 s10, s25;
	s7 =	sadd.s32 s9, s7;
	s26 =	sshll.u32 s12, $0xB  }
0x12: {  	[dreg:$0x4] =	wrdreg s0;
	s28 =	sshll.u32 s8, $0xB;
	s30 =	sshll.u32 s12, $0x8  }
0x13: {  	v2 =	vimm.f32 $1.000000000e+10;
	s31 =	sshll.u32 s8, $0x8;
	s12 =	sor.u32 $0x40, s14;
	s5 =	sadd.s32 s10, s26  }
0x14: {  	vm0 =	vcmask $0x3F10;
	vm1 =	vcmask $0x3F0C;
	vm2 =	vcmask $0x704;
	s6 =	sadd.s32 s10, s28;
	s8 =	sadd.s32 s9, s30;
	s29 =	spop (v2sf)  }
0x15: {  	vm3 =	vmmov $0x1;
	v3 =	vimm.s32 $0x1;
	v4 =	vimm.s32 $0x2;
	s9 =	sadd.s32 s9, s31;
	s10 =	smax.u32 s11, $0x1;
	s13 =	sxor.u32 $0x80000000, s29  }
0x16: {  	v5 =	vimm.s32 $0x3;
	v6 =	vimm.s32 $0x4;
	s11 =	sor.u32 $0x70, s14;
	v1 =	vmov s13;
	s13 =	sor.u32 $0x4040, s14;
	s14 =	sor.u32 $0x8040, s14  }
.LBB2_1:
0x17: {  	s0 =	rddreg [dreg:$0x4]  }
0x18: {  	[tilespmem:s2], [sflag:$0x1] =	stream.linear.gather [hbm4b:s0+s2], $0x4000, $0x38;
	[tilespmem:$0xF920] =	vst v63  }
0x19: {  	_ =	swait.ge [sflag:s16], $0x4000  }
0x1a: {  	[sflag:s16] =	ssyncset.done $0x0  }
0x1b: {  	[sflag:s16] =	ssyncadd.s32 $0xFFFFC000  }
0x1c: {  	[tilespmem:s15], [sflag:$0x1] =	stream.linear.gather [hbm4b:s5+s2], $0x4000, $0x38;
	[tilespmem:$0xF920] =	vst v63  }
0x1d: {  	_ =	swait.ge [sflag:s16], $0x4000  }
0x1e: {  	[sflag:s16] =	ssyncset.done $0x0  }
0x1f: {  	[sflag:s16] =	ssyncadd.s32 $0xFFFFC000  }
0x20: {  	[tilespmem:s17], [sflag:$0x1] =	stream.linear.gather [hbm4b:s6+s2], $0x4000, $0x38;
	[tilespmem:$0xF920] =	vst v63  }
0x21: {  	_ =	swait.ge [sflag:s16], $0x4000  }
0x22: {  	[sflag:s16] =	ssyncset.done $0x0  }
0x23: {  	s24 =	simm.s32 $0xC040;
	[sflag:s16] =	ssyncadd.s32 $0xFFFFC000  }
0x24: {  	[tilespmem:s24+$0xFFFFFFC0] =	vst v2  }
0x25: {  	[tilespmem:s24+$0x30] =	vst v2  }
0x26: {  	[tilespmem:s24+$0x20] =	vst v2  }
0x27: {  	[tilespmem:s24+$0x10] =	vst v2  }
0x28: {  	[tilespmem:s24+$0x0] =	vst v2  }
0x29: {  	[tilespmem:s24+$0xFFFFFFF0] =	vst v2  }
0x2a: {  	s25 =	simm.s32 $0x0;
	[tilespmem:s24+$0xFFFFFFE0] =	vst v2  }
.LBB2_2:
0x2b: {  	s25 =	sadd.s32 $0x8, s25;
	[tilespmem:s24+$0xFFFFFFD0] =	vst v2;
	s24 =	sadd.s32 $0x80, s24  }
0x2c: {  	[tilespmem:s24+$0xFFFFFFC0] =	vst v2;
	p1 =	slt.u32 s25, $0x1F8  }
0x2d: {  	[tilespmem:s24+$0x30] =	vst v2  }
.Ltmp0:
0x2e: {  	[tilespmem:s24+$0x20] =	vst v2;
	(pc) =	sbr.rel @p1 .LBB2_2-.Ltmp0, $4  }
0x2f: {  	[tilespmem:s24+$0x10] =	vst v2  }
0x30: {  	[tilespmem:s24+$0x0] =	vst v2  }
0x31: {  	[tilespmem:s24+$0xFFFFFFF0] =	vst v2  }
0x32: {  	[tilespmem:s24+$0xFFFFFFE0] =	vst v2  }
0x33: {  	_ =	sdelay $0x2  }
0x34: {  	[tilespmem:s24+$0xFFFFFFD0] =	vst v2  }
0x35: {  	v7 =	vld.idx.msk [tilespmem:v1+s2+$0x0], $0xffff  }
0x36: {  	v8 =	vld.idx.msk [tilespmem:v1+s15+$0x0], $0xffff  }
0x37: {  	v9 =	vld.idx.msk [tilespmem:v1+s17+$0x0], $0xffff;
	_ =	sdelay $0x2  }
0x38: {  	[tilespmem:v1+s18+$0x0] =	vst.idx.msk $0x1, v7  }
0x39: {  	[tilespmem:v1+s19+$0x0] =	vst.idx.msk $0x1, v8  }
0x3a: {  	s24 =	simm.s32 $0x1;
	[tilespmem:v1+s20+$0x0] =	vst.idx.msk $0x1, v9  }
.LBB2_4:
0x3b: {  	v10 =	vld [tilespmem:s13+$0x30]  }
0x3c: {  	v11 =	vld [tilespmem:s13+$0x20]  }
0x3d: {  	v12 =	vld [tilespmem:s12+$0x30]  }
0x3e: {  	v13 =	vld [tilespmem:s14+$0x30]  }
0x3f: {  	v14 =	vld [tilespmem:s13+$0x10]  }
0x40: {  	v15 =	vld [tilespmem:s12+$0x20]  }
0x41: {  	v16 =	vld [tilespmem:s14+$0x20]  }
0x42: {  	v17 =	vld [tilespmem:s13+$0x0]  }
0x43: {  	v18 =	vld [tilespmem:s12+$0x10]  }
0x44: {  	v19 =	vld [tilespmem:s14+$0x10]  }
0x45: {  	v20 =	vld [tilespmem:s13+$0xFFFFFFF0]  }
0x46: {  	v21 =	vld [tilespmem:s12+$0x0]  }
0x47: {  	v22 =	vld [tilespmem:s14+$0x0];
	v23 =	vsub.f32 v11, v8  }
0x48: {  	v29 =	vimm.f32 $-Inf;
	v25 =	vld [tilespmem:s13+$0xFFFFFFE0];
	v24 =	vsub.f32 v10, v8;
	v26 =	vsub.f32 v12, v7  }
0x49: {  	v31 =	vimm.s32 $0x0;
	v27 =	vld [tilespmem:s12+$0xFFFFFFF0];
	s25 =	sadd.s32 $0xFFFFFFD0, s11;
	v28 =	vsub.f32 v14, v8;
	v30 =	vsub.f32 v13, v9  }
0x4a: {  	s26 =	sadd.s32 $0xFFFFFFC0, s11;
	v41 =	vld [tilespmem:s14+$0xFFFFFFC0];
	v10 =	vor.u32 s25, v0;
	v32 =	vsub.f32 v15, v7;
	v33 =	vsub.f32 v16, v9  }
0x4b: {  	s4 =	sadd.s32 $0xFFFFFFB0, s11;
	v35 =	vld [tilespmem:s13+$0xFFFFFFC0];
	v11 =	vor.u32 s26, v0;
	v34 =	vsub.f32 v17, v8;
	v18 =	vsub.f32 v18, v7  }
0x4c: {  	s0 =	sadd.s32 $0xFFFFFFA0, s11;
	v38 =	vld [tilespmem:s12+$0xFFFFFFC0];
	v12 =	vor.u32 s4, v0;
	v36 =	vsub.f32 v20, v8;
	v37 =	vsub.f32 v19, v9  }
0x4d: {  	v53 =	vld [tilespmem:s14+$0xFFFFFFE0];
	v14 =	vor.u32 s0, v0;
	v39 =	vsub.f32 v21, v7;
	v40 =	vsub.f32 v22, v9  }
0x4e: {  	v13 =	vld [tilespmem:s13+$0xFFFFFFD0];
	v43 =	vsub.f32 v25, v8;
	v44 =	vsub.f32 v27, v7;
	v15 =	vmul.f32 v23, v23  }
0x4f: {  	s4 =	sadd.s32 $0xFFFFFF90, s11;
	v27 =	vld [tilespmem:s12+$0xFFFFFFD0];
	v54 =	vsub.f32 v41, v9;
	v17 =	vmul.f32 v30, v30;
	v19 =	vmul.f32 v28, v28  }
0x50: {  	v42 =	vor.u32 s4, v0;
	v23 =	vld [tilespmem:s14+$0xFFFFFFD0];
	v20 =	vmul.f32 v32, v32;
	v22 =	vmul.f32 v34, v34  }
0x51: {  	v16 =	vld [tilespmem:s12+$0xFFFFFFE0];
	v30 =	vsub.f32 v35, v8;
	v21 =	vmul.f32 v33, v33;
	v25 =	vmul.f32 v37, v37  }
0x52: {  	v55 =	vld [tilespmem:s14+$0xFFFFFFF0];
	v28 =	vsub.f32 v38, v7;
	v32 =	vmul.f32 v54, v54;
	v57 =	vmul.f32 v43, v43  }
0x53: {  	v35 =	vsub.f32 v53, v9;
	v62 =	vmul.f32 v44, v44;
	v34 =	vmul.f32 v40, v40  }
0x54: {  	s25 =	simm.s32 $0xC040;
	v28 =	vmul.f32 v28, v28;
	v45 =	vsub.f32 v13, v8;
	v13 =	vmul.f32 v24, v24  }
0x55: {  	v56 =	vld [tilespmem:s25+$0xFFFFFFC0];
	v24 =	vmul.f32 v18, v18;
	v18 =	vsub.f32 v27, v7;
	v23 =	vsub.f32 v23, v9  }
0x56: {  	v30 =	vmul.f32 v30, v30;
	v46 =	vsub.f32 v16, v7;
	v28 =	vadd.f32 v32, v28  }
0x57: {  	v59 =	vld [tilespmem:s25+$0xFFFFFFD0];
	v33 =	vsub.f32 v55, v9;
	v58 =	vmul.f32 v18, v18;
	v23 =	vmul.f32 v23, v23  }
0x58: {  	v35 =	vmul.f32 v35, v35;
	v18 =	vld [tilespmem:s25+$0x30];
	v60 =	vmul.f32 v46, v46;
	v28 =	vadd.f32 v28, v30  }
0x59: {  	v33 =	vmul.f32 v33, v33;
	v61 =	vmul.f32 v45, v45;
	v30 =	vld [tilespmem:s25+$0xFFFFFFE0];
	v32 =	vadd.f32 v23, v58  }
0x5a: {  	v16 =	vmul.f32 v26, v26;
	v35 =	vadd.f32 v35, v60;
	v63 =	vmin.f32 v56, v28;
	v28 =	vld [tilespmem:s25+$0x10]  }
0x5b: {  	v26 =	vmul.f32 v36, v36;
	v27 =	vmul.f32 v39, v39;
	v23 =	vld [tilespmem:s25+$0x20];
	v39 =	vadd.f32 v32, v61  }
0x5c: {  	s28 =	simm.s32 $0x0;
	s29 =	sadd.s32 $0x80, s13;
	v37 =	vadd.f32 v33, v62;
	vm4 =	vgt.f32 v63, v29;
	v35 =	vadd.f32 v35, v57;
	v32 =	vld [tilespmem:s25+$0xFFFFFFF0]  }
0x5d: {  	s30 =	smov.u32 s12;
	s31 =	smov.u32 s14;
	s26 =	smov.u32 s11;
	[tilespmem:s25+$0xFFFFFFC0] =	vst v63;
	v36 =	vsel vm4, v63, v29;
	v33 =	vsel vm4, v42, v31;
	v31 =	vld [tilespmem:s25+$0x0];
	v29 =	vmin.f32 v59, v39  }
.LBB2_5:
0x5e: {  	v38 =	vld [tilespmem:s29+$0x30];
	[tilespmem:s25+$0xFFFFFFD0] =	vst v29;
	vm4 =	vgt.f32 v29, v36;
	v26 =	vadd.f32 v37, v26;
	v27 =	vadd.f32 v34, v27  }
0x5f: {  	s30 =	sadd.s32 $0x80, s30;
	v34 =	vld [tilespmem:s29+$0x20];
	v29 =	vsel vm4, v29, v36;
	v14 =	vsel vm4, v14, v33;
	v30 =	vmin.f32 v30, v35  }
0x60: {  	v24 =	vadd.f32 v25, v24;
	s31 =	sadd.s32 $0x80, s31;
	v33 =	vld [tilespmem:s30+$0x30];
	[tilespmem:s25+$0xFFFFFFE0] =	vst v30;
	vm4 =	vgt.f32 v30, v29;
	v22 =	vadd.f32 v27, v22  }
0x61: {  	v25 =	vld [tilespmem:s31+$0x30];
	v27 =	vsel vm4, v30, v29;
	v12 =	vsel vm4, v12, v14;
	v14 =	vmin.f32 v32, v26  }
0x62: {  	v20 =	vadd.f32 v21, v20;
	v19 =	vadd.f32 v24, v19;
	v26 =	vld [tilespmem:s29+$0x10];
	[tilespmem:s25+$0xFFFFFFF0] =	vst v14;
	vm4 =	vgt.f32 v14, v27  }
0x63: {  	v21 =	vld [tilespmem:s30+$0x20];
	v14 =	vsel vm4, v14, v27;
	v11 =	vsel vm4, v11, v12;
	v12 =	vmin.f32 v31, v22  }
0x64: {  	v16 =	vadd.f32 v17, v16;
	v15 =	vadd.f32 v20, v15;
	v22 =	vld [tilespmem:s31+$0x20];
	[tilespmem:s25+$0x0] =	vst v12;
	vm4 =	vgt.f32 v12, v14  }
0x65: {  	s0 =	sadd.s32 $0xFFFFFFE0, s26;
	v17 =	vld [tilespmem:s29+$0x0];
	v12 =	vsel vm4, v12, v14;
	v10 =	vsel vm4, v10, v11;
	v11 =	vmin.f32 v28, v19  }
0x66: {  	v13 =	vadd.f32 v16, v13;
	v19 =	vor.u32 s0, v0;
	v14 =	vld [tilespmem:s30+$0x10];
	[tilespmem:s25+$0x10] =	vst v11;
	vm4 =	vgt.f32 v11, v12  }
0x67: {  	s0 =	sadd.s32 $0xFFFFFFF0, s26;
	v16 =	vld [tilespmem:s31+$0x10];
	v11 =	vsel vm4, v11, v12;
	v10 =	vsel vm4, v19, v10;
	v12 =	vmin.f32 v23, v15  }
0x68: {  	v20 =	vor.u32 s26, v0;
	v19 =	vor.u32 s0, v0;
	v15 =	vld [tilespmem:s29+$0xFFFFFFF0];
	[tilespmem:s25+$0x20] =	vst v12;
	vm4 =	vgt.f32 v12, v11  }
0x69: {  	v23 =	vld [tilespmem:s30+$0x0];
	v11 =	vsel vm4, v12, v11;
	v10 =	vsel vm4, v19, v10;
	v12 =	vmin.f32 v18, v13  }
0x6a: {  	v18 =	vsub.f32 v34, v8;
	v19 =	vsub.f32 v38, v8;
	v13 =	vld [tilespmem:s31+$0x0];
	[tilespmem:s25+$0x30] =	vst v12;
	vm4 =	vgt.f32 v12, v11  }
0x6b: {  	v27 =	vsub.f32 v33, v7;
	s26 =	sadd.s32 $0x80, s26;
	v24 =	vld [tilespmem:s29+$0xFFFFFFE0];
	v29 =	vsel vm4, v12, v11;
	v31 =	vsel vm4, v20, v10  }
0x6c: {  	v25 =	vsub.f32 v25, v9;
	s0 =	sadd.s32 $0xFFFFFFD0, s26;
	v26 =	vsub.f32 v26, v8;
	v20 =	vld [tilespmem:s30+$0xFFFFFFF0]  }
0x6d: {  	s4 =	sadd.s32 $0xFFFFFFC0, s26;
	v21 =	vsub.f32 v21, v7;
	v30 =	vsub.f32 v22, v9;
	v10 =	vor.u32 s0, v0;
	v28 =	vld [tilespmem:s29+$0xFFFFFFD0]  }
0x6e: {  	v32 =	vsub.f32 v17, v8;
	s0 =	sadd.s32 $0xFFFFFFB0, s26;
	v11 =	vor.u32 s4, v0;
	v33 =	vsub.f32 v14, v7;
	v22 =	vld [tilespmem:s30+$0xFFFFFFE0]  }
0x6f: {  	s4 =	sadd.s32 $0xFFFFFFA0, s26;
	v12 =	vor.u32 s0, v0;
	v36 =	vsub.f32 v16, v9;
	v35 =	vsub.f32 v15, v8;
	v34 =	vld [tilespmem:s29+$0xFFFFFFC0]  }
0x70: {  	s0 =	sadd.s32 $0xFFFFFF90, s26;
	v14 =	vor.u32 s4, v0;
	v23 =	vsub.f32 v23, v7;
	v38 =	vsub.f32 v13, v9;
	v37 =	vld [tilespmem:s30+$0xFFFFFFC0]  }
0x71: {  	s28 =	sadd.s32 $0x8, s28;
	v40 =	vor.u32 s0, v0;
	v41 =	vsub.f32 v24, v8;
	v39 =	vld [tilespmem:s31+$0xFFFFFFC0];
	v42 =	vsub.f32 v20, v7  }
0x72: {  	p1 =	slt.u32 s28, $0x1F8;
	v15 =	vmul.f32 v18, v18;
	v13 =	vmul.f32 v19, v19;
	v43 =	vld [tilespmem:s30+$0xFFFFFFD0];
	v28 =	vsub.f32 v28, v8  }
0x73: {  	v17 =	vmul.f32 v25, v25;
	v16 =	vmul.f32 v27, v27;
	v18 =	vld [tilespmem:s31+$0xFFFFFFD0];
	v44 =	vsub.f32 v22, v7  }
0x74: {  	v19 =	vmul.f32 v26, v26;
	v20 =	vmul.f32 v21, v21;
	v34 =	vsub.f32 v34, v8;
	v45 =	vld [tilespmem:s31+$0xFFFFFFE0]  }
0x75: {  	v21 =	vmul.f32 v30, v30;
	v22 =	vmul.f32 v32, v32;
	v37 =	vsub.f32 v37, v7  }
0x76: {  	v25 =	vmul.f32 v36, v36;
	v24 =	vmul.f32 v33, v33;
	v30 =	vsub.f32 v39, v9;
	v32 =	vld [tilespmem:s31+$0xFFFFFFF0]  }
0x77: {  	v26 =	vmul.f32 v35, v35;
	v27 =	vmul.f32 v23, v23;
	v33 =	vsub.f32 v43, v7  }
0x78: {  	s25 =	sadd.s32 $0x80, s25;
	v23 =	vmul.f32 v37, v37;
	v30 =	vmul.f32 v30, v30;
	v18 =	vsub.f32 v18, v9  }
0x79: {  	v34 =	vmul.f32 v34, v34;
	v37 =	vmul.f32 v41, v41;
	v35 =	vld [tilespmem:s25+$0xFFFFFFC0];
	v36 =	vsub.f32 v45, v9  }
0x7a: {  	v23 =	vadd.f32 v30, v23;
	v30 =	vmul.f32 v33, v33;
	v33 =	vmul.f32 v18, v18;
	v18 =	vld [tilespmem:s25+$0x30]  }
0x7b: {  	v41 =	vmul.f32 v44, v44;
	v39 =	vld [tilespmem:s25+$0xFFFFFFD0];
	v36 =	vmul.f32 v36, v36;
	v32 =	vsub.f32 v32, v9  }
.Ltmp1:
0x7c: {  	v28 =	vmul.f32 v28, v28;
	v34 =	vadd.f32 v23, v34;
	v33 =	vadd.f32 v33, v30;
	v23 =	vld [tilespmem:s25+$0x20];
	(pc) =	sbr.rel @p1 .LBB2_5-.Ltmp1, $4  }
0x7d: {  	v30 =	vld [tilespmem:s25+$0xFFFFFFE0];
	v36 =	vadd.f32 v36, v41;
	v41 =	vmul.f32 v42, v42;
	v42 =	vmul.f32 v32, v32  }
0x7e: {  	v43 =	vmin.f32 v35, v34;
	v44 =	vadd.f32 v33, v28;
	v34 =	vmul.f32 v38, v38;
	v28 =	vld [tilespmem:s25+$0x10]  }
0x7f: {  	[tilespmem:s25+$0xFFFFFFC0] =	vst v43;
	vm4 =	vgt.f32 v43, v29;
	v35 =	vadd.f32 v36, v37;
	v32 =	vld [tilespmem:s25+$0xFFFFFFF0];
	v37 =	vadd.f32 v42, v41  }
0x80: {  	s29 =	sadd.s32 $0x80, s29;
	v36 =	vsel vm4, v43, v29;
	v33 =	vsel vm4, v40, v31;
	v29 =	vmin.f32 v39, v44;
	v31 =	vld [tilespmem:s25+$0x0]  }
0x81: {  	vm4 =	vgt.f32 v29, v36;
	v7 =	vadd.f32 v34, v27  }
0x82: {  	v8 =	vadd.f32 v37, v26;
	v9 =	vsel vm4, v29, v36;
	v52 =	vmin.f32 v30, v35  }
0x83: {  	v53 =	vadd.f32 v25, v24;
	vm5 =	vgt.f32 v52, v9  }
0x84: {  	v7 =	vadd.f32 v7, v22;
	v9 =	vsel vm5, v52, v9;
	v8 =	vmin.f32 v32, v8  }
0x85: {  	v20 =	vadd.f32 v21, v20;
	vm6 =	vgt.f32 v8, v9  }
0x86: {  	v19 =	vadd.f32 v53, v19;
	v7 =	vmin.f32 v31, v7;
	v9 =	vsel vm6, v8, v9  }
0x87: {  	v16 =	vadd.f32 v17, v16;
	vm7 =	vgt.f32 v7, v9  }
0x88: {  	v15 =	vadd.f32 v20, v15;
	v54 =	vmin.f32 v28, v19;
	v9 =	vsel vm7, v7, v9  }
0x89: {  	vm8 =	vgt.f32 v54, v9  }
0x8a: {  	v13 =	vadd.f32 v16, v13;
	v15 =	vmin.f32 v23, v15;
	v9 =	vsel vm8, v54, v9  }
0x8b: {  	vm9 =	vgt.f32 v15, v9  }
0x8c: {  	v13 =	vmin.f32 v18, v13;
	v9 =	vsel vm9, v15, v9  }
0x8d: {  	vm10 =	vgt.f32 v13, v9  }
0x8e: {  	v9 =	vsel vm10, v13, v9  }
0x8f: {  	(xrf0) =	vmax.scan.msk.f32 $0xffff, v9;
	_ =	sdelay $0x1  }
0x90: {  	v14 =	vsel vm4, v14, v33  }
0x91: {  	v12 =	vsel vm5, v12, v14  }
0x92: {  	s0 =	sadd.s32 $0xFFFFFFE0, s26;
	v11 =	vsel vm6, v11, v12  }
0x93: {  	s28 =	sadd.s32 $0xFFFFFFF0, s26;
	v10 =	vsel vm7, v10, v11;
	v11 =	vor.u32 s0, v0  }
0x94: {  	v10 =	vsel vm8, v11, v10;
	v11 =	vor.u32 s28, v0;
	v55, _, _ =	vpop (xrf0)  }
0x95: {  	v56 =	vor.u32 s26, v0;
	v10 =	vsel vm9, v11, v10;
	v11 =	vbroadcast v55, $0xF  }
0x96: {  	v10 =	vsel vm10, v56, v10  }
0x97: {  	vm4 =	veq.f32 v9, v11;
	v9 =	vxor.u32 $0x80000000, v10  }
0x98: {  	v9 =	vnsel vm4, $0x80004000, v9  }
0x99: {  	(xrf0) =	vmin.scan.msk.u32 $0xffff, v9;
	_ =	sdelay $0x5  }
0x9a: {  	v9, _, _ =	vpop (xrf0)  }
0x9b: {  	(v2sf) =	vpush v9, $0xF;
	_ =	sdelay $0xe  }
0x9c: {  	[tilespmem:s25+$0xFFFFFFD0] =	vst v29;
	s29 =	spop (v2sf)  }
0x9d: {  	[tilespmem:s25+$0xFFFFFFE0] =	vst v52;
	s0 =	sxor.u32 $0x80000000, s29  }
0x9e: {  	[tilespmem:s25+$0xFFFFFFF0] =	vst v8;
	v8 =	vmov s0  }
0x9f: {  	[tilespmem:s25+$0x0] =	vst v7  }
0xa0: {  	[tilespmem:s25+$0x10] =	vst v54  }
0xa1: {  	[tilespmem:s25+$0x20] =	vst v15  }
0xa2: {  	[tilespmem:s25+$0x30] =	vst v13  }
0xa3: {  	v9 =	vld.idx.msk [tilespmem:v8+s15+$0x0], $0xffff  }
0xa4: {  	v10 =	vld.idx.msk [tilespmem:v8+s17+$0x0], $0xffff  }
0xa5: {  	v7 =	vld.idx.msk [tilespmem:v8+s2+$0x0], $0xffff;
	_ =	sdelay $0x3  }
0xa6: {  	s4 =	sshll.u32 s24, $0x4;
	v57 =	vsel vm0, v10, v9  }
0xa7: {  	s4 =	sand.u32 $0x10, s4;
	v12 =	vsel vm1, v57, v7  }
0xa8: {  	s30 =	sor.u32 s3, s4;
	v12 =	vsel vm2, s0, v12  }
0xa9: {  	s0 =	sshll.u32 s30, $0x4;
	v12 =	vsel vm3, v11, v12  }
0xaa: {  	s31 =	sadd.s32 s0, s1;
	[tilespmem:$0xF800] =	vst v12  }
0xab: {  	[spmem:s31] =	stream.linear.scatter [tilespmem:s21], [sflag:$0x1], $0x10, $0x38;
	[tilespmem:$0xF920] =	vst v63  }
0xac: {  	_ =	swait.ge [sflag:s16], $0x10  }
0xad: {  	[sflag:s16] =	ssyncset.done $0x0  }
0xae: {  	s0 =	sxor.u32 $0x10, s0;
	[sflag:s16] =	ssyncadd.s32 $0xFFFFFFF0  }
0xaf: {  	s0 =	sadd.s32 s0, s1;
	[bflag:$0x0] =	sbarrier.arrive $0xFFFF  }
0xb0: {  	[tilespmem:s22], [sflag:$0x1] =	stream.linear.gather [spmem:s0], $0x10, $0x38;
	[tilespmem:$0xF920] =	vst v63  }
0xb1: {  	_ =	swait.ge [sflag:s16], $0x10  }
0xb2: {  	[sflag:s16] =	ssyncset.done $0x0  }
0xb3: {  	[sflag:s16] =	ssyncadd.s32 $0xFFFFFFF0  }
0xb4: {  	v58 =	vld.idx.msk [tilespmem:v1+s22+$0x0], $0xffff  }
0xb5: {  	v59 =	vld.idx.msk [tilespmem:v3+s22+$0x0], $0xffff;
	_ =	sdelay $0x2  }
0xb6: {  	v60 =	vld.idx.msk [tilespmem:v4+s22+$0x0], $0xffff  }
0xb7: {  	v62 =	vmov s24;
	v61 =	vld.idx.msk [tilespmem:v5+s22+$0x0], $0xffff  }
0xb8: {  	s24 =	sadd.s32 $0x1, s24;
	v63 =	vld.idx.msk [tilespmem:v6+s22+$0x0], $0xffff;
	vm4 =	veq.f32 v11, v58;
	vm5 =	vlt.s32 v8, v59  }
0xb9: {  	p1 =	sne.s32 s24, $0x800;
	vm15 =	vgt.f32 v11, v58;
	vm4 =	vmand vm4, vm5  }
.Ltmp2:
0xba: {  	vm4 =	vmor vm15, vm4;
	(pc) =	sbr.rel @p1 .LBB2_4-.Ltmp2, $4  }
0xbb: {  	v7 =	vsel vm4, v7, v60  }
0xbc: {  	v8 =	vsel vm4, v9, v61;
	[tilespmem:v62+s18+$0x0] =	vst.idx.msk $0x1, v7  }
0xbd: {  	v9 =	vsel vm4, v10, v63;
	[tilespmem:v62+s19+$0x0] =	vst.idx.msk $0x1, v8  }
0xbe: {  	[tilespmem:v62+s20+$0x0] =	vst.idx.msk $0x1, v9  }
0xbf: {  	s0 =	simm.s32 @!p0 $0x0;
	s4 =	simm.s32 @!p0 $0xE000  }
0xc0: {  	[hbm4b:s7+s0] =	stream.linear.scatter @!p0 [tilespmem:s4], [sflag:$0x1], $0x800, $0x38;
	[tilespmem:$0xF920] =	vst v63  }
0xc1: {  	s4 =	simm.s32 @!p0 $0x1  }
0xc2: {  	_ =	swait.ge @!p0 [sflag:s4], $0x800  }
0xc3: {  	[sflag:s4] =	ssyncset.done @!p0 $0x0  }
0xc4: {  	s24 =	simm.s32 @!p0 $0xE800;
	[sflag:s4] =	ssyncadd.s32 @!p0 $0xFFFFF800  }
0xc5: {  	[hbm4b:s8+s0] =	stream.linear.scatter @!p0 [tilespmem:s24], [sflag:$0x1], $0x800, $0x38;
	[tilespmem:$0xF920] =	vst v63  }
0xc6: {  	s23 =	sadd.s32 $0x1, s23;
	_ =	swait.ge @!p0 [sflag:s4], $0x800  }
0xc7: {  	p1 =	sne.s32 s23, s10;
	[sflag:s4] =	ssyncset.done @!p0 $0x0  }
.Ltmp3:
0xc8: {  	s24 =	simm.s32 @!p0 $0xF000;
	[sflag:s4] =	ssyncadd.s32 @!p0 $0xFFFFF800;
	(pc) =	sbr.rel @p1 .LBB2_1-.Ltmp3, $4  }
0xc9: {  	[hbm4b:s9+s0] =	stream.linear.scatter @!p0 [tilespmem:s24], [sflag:$0x1], $0x800, $0x38;
	[tilespmem:$0xF920] =	vst v63  }
0xca: {  	_ =	swait.ge @!p0 [sflag:s4], $0x800  }
0xcb: {  	[sflag:s4] =	ssyncset.done @!p0 $0x0  }
0xcc: {  	[sflag:s4] =	ssyncadd.s32 @!p0 $0xFFFFF800  }
0xcd: {  	_ =	sfence.sel $0x180000  }
0xce: {  	[bflag:$0x0] =	sbarrier.arrive $0xFFFF  }
0xcf: {  	_ =	strace $0x90000047  }
0xd0: {  	[bflag:$0x2] =	sbarrier.arrive $0xFFFF  }
0xd1: {  	p0 =	sne.s32 s3, $0x0;
	s0 =	rddreg [dreg:$0x3]  }
0xd2: {  	s0 =	sadd.s32 @!p0 $0x100000, s0  }
0xd3: {  	[sflag:s0] =	ssyncadd.tile.s32 @!p0 $0x1;
	_ =	shalt  }
.Lfunc_end2:
_tile_overlayer_lowered:
.L_overlay_start_2:
0xd4: {  	(tag) =	ssettag $0x2  }
0xd5: {  	s0 =	rddreg [dreg:$0x0];
	s2 =	stileid.u32  }
0xd6: {  	s1 =	rddreg [dreg:$0x1];
	p0 =	sne.s32 s2, $0x0  }
0xd7: {  	s3 =	rddreg [dreg:$0x2];
	[bflag:$0x3] =	sbarrier.arrive $0xFFFF;
	s2 =	simm.s32 @!p0 $0x1C01  }
0xd8: {  	[timem:s3], [sflag:s2] =	dma.local @!p0 [hbm:s0], s1  }
0xd9: {  	s0 =	simm.s32 @!p0 $0x1  }
0xda: {  	_ =	swait.ge @!p0 [sflag:s0], s1  }
0xdb: {  	s1 =	ssub.s32 @!p0 $0x0, s1;
	[sflag:s0] =	ssyncset.done @!p0 $0x0  }
0xdc: {  	[sflag:s0] =	ssyncadd.s32 @!p0 s1  }
0xdd: {  	[bflag:$0x3] =	sbarrier.arrive $0xFFFF  }
0xde: {  	_ =	shalt  }

</sc_bundles>
